<compile_context>
chip_gen: v7x
topology: tpu7x:2x2x1
jax: 0.10.2.dev20260603
libtpu: 0.0.44.dev20260713+nightly
codegen_flags: <defaults>
</compile_context>

<pallas_src>
import functools

import jax
import jax.numpy as jnp
from jax import lax
from jax.experimental import pallas as pl
from jax.experimental.pallas import tpu as pltpu
from jax.experimental.pallas import tpu_sc as plsc

_INFO = plsc.get_sparse_core_info()
_NS = _INFO.num_subcores
_L = _INFO.num_lanes
_NW = 1 * _NS


@functools.lru_cache(maxsize=None)
def _make(B: int, G: int):
    b_per_w = B // _NW
    assert b_per_w * _NW == B and b_per_w % _L == 0
    g_pad = (G + 15) // 16 * 16
    mesh = plsc.VectorSubcoreMesh(core_axis_name="c", subcore_axis_name="s", num_cores=1)

    @functools.partial(
        pl.kernel,
        mesh=mesh,
        out_type=jax.ShapeDtypeStruct((B,), jnp.float32),
        scratch_types=[
            pltpu.VMEM((g_pad,), jnp.float32),
            pltpu.VMEM((b_per_w,), jnp.float32),
            pltpu.SemaphoreType.DMA,
            pltpu.SemaphoreType.DMA,
        ],
        compiler_params=pltpu.CompilerParams(needs_layout_passes=False),
    )
    def k(t_hbm, gamma_hbm, out_hbm, gamma_v, t_v, sem_g, sem_t):
        wid = lax.axis_index("s")
        base = wid * b_per_w
        cp_g = pltpu.async_copy(gamma_hbm, gamma_v.at[pl.ds(0, G)], sem_g)
        cp_t = pltpu.async_copy(t_hbm.at[pl.ds(base, b_per_w)], t_v, sem_t)
        scale = jnp.float32(G - 1)
        n_chunks = b_per_w // _L
        half = 3 * n_chunks // 4
        cp_t.wait()
        cp_g.wait()

        def body(i):
            tv = t_v[pl.ds(i * _L, _L)]
            idx = (tv * scale).astype(jnp.int32)
            t_v[pl.ds(i * _L, _L)] = plsc.load_gather(gamma_v, [idx])

        plsc.parallel_loop(0, half, unroll=16)(body)
        cp_o0 = pltpu.async_copy(
            t_v.at[pl.ds(0, half * _L)],
            out_hbm.at[pl.ds(base, half * _L)], sem_t)
        plsc.parallel_loop(half, n_chunks, unroll=16)(body)
        tail = (n_chunks - half) * _L
        cp_o1 = pltpu.async_copy(
            t_v.at[pl.ds(half * _L, tail)],
            out_hbm.at[pl.ds(base + half * _L, tail)], sem_g)
        cp_o0.wait()
        cp_o1.wait()

    return k


@jax.jit
def kernel(t, gamma):
    return _make(t.shape[0], gamma.shape[0])(t, gamma)

# --- scband reference (transcript-rebuilt; emitter-appended) ---
"""Pipeline reference for scband-noise-schedule-11922829214314 (READ-ONLY COPY).

The authoritative reference and input builder live on the scoring server;
editing this copy changes nothing except your own understanding.
"""

import math
import jax, jax.numpy as jnp
import numpy as np


def cosine_gamma(timesteps, s=0.008):
    steps = timesteps + 2
    x = jnp.linspace(0.0, float(timesteps), steps)
    alphas_cumprod = jnp.cos((x / timesteps + s) / (1 + s) * math.pi * 0.5) ** 2
    alphas_cumprod = alphas_cumprod / alphas_cumprod[0]
    betas = 1.0 - alphas_cumprod[1:] / alphas_cumprod[:-1]
    betas = jnp.clip(betas, 0.0, 0.9999)
    alphas2 = jnp.cumprod(1.0 - betas, axis=0)
    sigmas2 = 1.0 - alphas2
    log_alphas2 = jnp.log(alphas2)
    log_sigmas2 = jnp.log(sigmas2)
    gamma = -(log_alphas2 - log_sigmas2)
    return gamma.astype(jnp.float32)


def setup_inputs(seed: int = 0) -> dict:
    key = jax.random.key(seed)
    timesteps = 1000
    t = jax.random.uniform(key, (16384,), dtype=jnp.float32)
    gamma = cosine_gamma(timesteps)  # shape [timesteps + 1]
    return {"t": t, "gamma": gamma}


def reference(t, gamma):
    timesteps = gamma.shape[0] - 1
    t_int = (t * timesteps).astype(jnp.int32)
    t_int = jnp.where(t_int < 0, 0, t_int)
    return jnp.take(gamma, t_int, axis=0)

if __name__ == "__main__":
    import jax
    _d = setup_inputs()
    print(jax.jit(kernel)(*tuple(_d.values())))

</pallas_src>

<mosaic_0001>
#map = affine_map<(d0, d1) -> (0)>
module attributes {stable_mosaic.version = 14 : i64} {
  func.func @k(%arg0: i32, %arg1: i32, %arg2: memref<16384xf32, #tpu.memory_space<hbm>>, %arg3: memref<1001xf32, #tpu.memory_space<hbm>>, %arg4: memref<16384xf32, #tpu.memory_space<hbm>>, %arg5: memref<1008xf32, #tpu.memory_space<vmem>>, %arg6: memref<1024xf32, #tpu.memory_space<vmem>>, %arg7: memref<!tpu.dma_semaphore, #tpu.memory_space<semaphore_mem>>, %arg8: memref<!tpu.dma_semaphore, #tpu.memory_space<semaphore_mem>>) attributes {dimension_semantics = [#tpu.dimension_semantics<core_parallel>, #tpu.dimension_semantics<subcore_parallel>], iteration_bounds = array<i64: 1, 16>, scalar_prefetch = 0 : i64, scratch_operands = 4 : i64, tpu.core_type = #tpu.core_type<sc_vector_subcore>, window_params = [{transform_indices = #map}, {transform_indices = #map}, {transform_indices = #map}]} {
    %mul3A = arith.constant 1024 : i32
    %mul3A_0 = arith.muli %arg1, %mul3A : i32
    %dma_start3A = arith.constant 0 : i32
    %dma_start3A_1 = tpu.memref_slice %arg5[%dma_start3A] : memref<1008xf32, #tpu.memory_space<vmem>> -> memref<1001xf32, #tpu.memory_space<vmem>>
    %dma_start3A_2 = arith.constant 0 : i32
    %dma_start3A_3 = tpu.memref_slice %arg5[%dma_start3A_2] : memref<1008xf32, #tpu.memory_space<vmem>> -> memref<1001xf32, #tpu.memory_space<vmem>>
    tpu.enqueue_dma source(%arg3 : memref<1001xf32, #tpu.memory_space<hbm>>) target(%dma_start3A_3 : memref<1001xf32, #tpu.memory_space<vmem>>) target_semaphore(%arg7 : memref<!tpu.dma_semaphore, #tpu.memory_space<semaphore_mem>>)
    %dma_start3A_4 = tpu.memref_slice %arg2[%mul3A_0] : memref<16384xf32, #tpu.memory_space<hbm>> -> memref<1024xf32, #tpu.memory_space<hbm>>
    %dma_start3A_5 = tpu.memref_slice %arg2[%mul3A_0] : memref<16384xf32, #tpu.memory_space<hbm>> -> memref<1024xf32, #tpu.memory_space<hbm>>
    tpu.enqueue_dma source(%dma_start3A_5 : memref<1024xf32, #tpu.memory_space<hbm>>) target(%arg6 : memref<1024xf32, #tpu.memory_space<vmem>>) target_semaphore(%arg8 : memref<!tpu.dma_semaphore, #tpu.memory_space<semaphore_mem>>)
    %dma_wait3A = tpu.memref_slice %arg2[%mul3A_0] : memref<16384xf32, #tpu.memory_space<hbm>> -> memref<1024xf32, #tpu.memory_space<hbm>>
    %dma_wait3A_6 = tpu.memref_slice %arg2[%mul3A_0] : memref<16384xf32, #tpu.memory_space<hbm>> -> memref<1024xf32, #tpu.memory_space<hbm>>
    tpu.wait_dma2 semaphore(%arg8 : memref<!tpu.dma_semaphore, #tpu.memory_space<semaphore_mem>>) src(%dma_wait3A_6 : memref<1024xf32, #tpu.memory_space<hbm>>) dst(%arg6 : memref<1024xf32, #tpu.memory_space<vmem>>)
    %dma_wait3A_7 = arith.constant 0 : i32
    %dma_wait3A_8 = tpu.memref_slice %arg5[%dma_wait3A_7] : memref<1008xf32, #tpu.memory_space<vmem>> -> memref<1001xf32, #tpu.memory_space<vmem>>
    %dma_wait3A_9 = arith.constant 0 : i32
    %dma_wait3A_10 = tpu.memref_slice %arg5[%dma_wait3A_9] : memref<1008xf32, #tpu.memory_space<vmem>> -> memref<1001xf32, #tpu.memory_space<vmem>>
    tpu.wait_dma2 semaphore(%arg7 : memref<!tpu.dma_semaphore, #tpu.memory_space<semaphore_mem>>) src(%arg3 : memref<1001xf32, #tpu.memory_space<hbm>>) dst(%dma_wait3A_10 : memref<1001xf32, #tpu.memory_space<vmem>>)
    %parallel_loop3A = arith.constant 0 : i32
    %parallel_loop3A_11 = arith.constant 48 : i32
    %parallel_loop3A_12 = arith.constant 1 : i32
    %parallel_loop3A_13 = arith.constant 1.000000e+03 : f32
    scf.for %parallel_loop3A_43 = %parallel_loop3A to %parallel_loop3A_11 step %parallel_loop3A_12  : i32 {
      %parallel_loop3A_44 = arith.constant 16 : i32
      %parallel_loop3A_45 = arith.muli %parallel_loop3A_43, %parallel_loop3A_44 : i32
      %parallel_loop3A_46 = arith.index_cast %parallel_loop3A_45 : i32 to index
      %parallel_loop3A_47 = tpu.vector_load %arg6[%parallel_loop3A_46] {strides = array<i32>} : memref<1024xf32, #tpu.memory_space<vmem>>, vector<16xf32>,
      %parallel_loop3A_48 = vector.broadcast %parallel_loop3A_13 : f32 to vector<16xf32>
      %parallel_loop3A_49 = arith.mulf %parallel_loop3A_47, %parallel_loop3A_48 : vector<16xf32>
      %parallel_loop3A_50 = arith.fptosi %parallel_loop3A_49 : vector<16xf32> to vector<16xi32>
      %parallel_loop3A_51 = tpu.vector_load_idx %arg5[%parallel_loop3A_50] : memref<1008xf32, #tpu.memory_space<vmem>>[vector<16xi32>], vector<16xf32>,
      %parallel_loop3A_52 = arith.constant 16 : i32
      %parallel_loop3A_53 = arith.muli %parallel_loop3A_43, %parallel_loop3A_52 : i32
      %parallel_loop3A_54 = arith.index_cast %parallel_loop3A_53 : i32 to index
      %parallel_loop3A_55 = tpu.vector_load %arg6[%parallel_loop3A_54] {strides = array<i32>} : memref<1024xf32, #tpu.memory_space<vmem>>, vector<16xf32>,
      tpu.vector_store %arg6[%parallel_loop3A_54], %parallel_loop3A_51 {strides = array<i32>} : memref<1024xf32, #tpu.memory_space<vmem>>, vector<16xf32>,
    } {sc.loop_unroll_factor = 16 : i64, sc.parallel_access}
    %dma_start3A_14 = arith.constant 0 : i32
    %dma_start3A_15 = tpu.memref_slice %arg6[%dma_start3A_14] : memref<1024xf32, #tpu.memory_space<vmem>> -> memref<768xf32, #tpu.memory_space<vmem>>
    %dma_start3A_16 = tpu.memref_slice %arg4[%mul3A_0] : memref<16384xf32, #tpu.memory_space<hbm>> -> memref<768xf32, #tpu.memory_space<hbm>>
    %dma_start3A_17 = tpu.memref_slice %arg4[%mul3A_0] : memref<16384xf32, #tpu.memory_space<hbm>> -> memref<768xf32, #tpu.memory_space<hbm>>
    %dma_start3A_18 = arith.constant 0 : i32
    %dma_start3A_19 = tpu.memref_slice %arg6[%dma_start3A_18] : memref<1024xf32, #tpu.memory_space<vmem>> -> memref<768xf32, #tpu.memory_space<vmem>>
    tpu.enqueue_dma source(%dma_start3A_19 : memref<768xf32, #tpu.memory_space<vmem>>) target(%dma_start3A_17 : memref<768xf32, #tpu.memory_space<hbm>>) target_semaphore(%arg8 : memref<!tpu.dma_semaphore, #tpu.memory_space<semaphore_mem>>)
    %parallel_loop3A_20 = arith.constant 48 : i32
    %parallel_loop3A_21 = arith.constant 64 : i32
    %parallel_loop3A_22 = arith.constant 1 : i32
    %parallel_loop3A_23 = arith.constant 1.000000e+03 : f32
    scf.for %parallel_loop3A_43 = %parallel_loop3A_20 to %parallel_loop3A_21 step %parallel_loop3A_22  : i32 {
      %parallel_loop3A_44 = arith.constant 16 : i32
      %parallel_loop3A_45 = arith.muli %parallel_loop3A_43, %parallel_loop3A_44 : i32
      %parallel_loop3A_46 = arith.index_cast %parallel_loop3A_45 : i32 to index
      %parallel_loop3A_47 = tpu.vector_load %arg6[%parallel_loop3A_46] {strides = array<i32>} : memref<1024xf32, #tpu.memory_space<vmem>>, vector<16xf32>,
      %parallel_loop3A_48 = vector.broadcast %parallel_loop3A_23 : f32 to vector<16xf32>
      %parallel_loop3A_49 = arith.mulf %parallel_loop3A_47, %parallel_loop3A_48 : vector<16xf32>
      %parallel_loop3A_50 = arith.fptosi %parallel_loop3A_49 : vector<16xf32> to vector<16xi32>
      %parallel_loop3A_51 = tpu.vector_load_idx %arg5[%parallel_loop3A_50] : memref<1008xf32, #tpu.memory_space<vmem>>[vector<16xi32>], vector<16xf32>,
      %parallel_loop3A_52 = arith.constant 16 : i32
      %parallel_loop3A_53 = arith.muli %parallel_loop3A_43, %parallel_loop3A_52 : i32
      %parallel_loop3A_54 = arith.index_cast %parallel_loop3A_53 : i32 to index
      %parallel_loop3A_55 = tpu.vector_load %arg6[%parallel_loop3A_54] {strides = array<i32>} : memref<1024xf32, #tpu.memory_space<vmem>>, vector<16xf32>,
      tpu.vector_store %arg6[%parallel_loop3A_54], %parallel_loop3A_51 {strides = array<i32>} : memref<1024xf32, #tpu.memory_space<vmem>>, vector<16xf32>,
    } {sc.loop_unroll_factor = 16 : i64, sc.parallel_access}
    %add3A = arith.constant 768 : i32
    %add3A_24 = arith.addi %mul3A_0, %add3A : i32
    %dma_start3A_25 = arith.constant 768 : i32
    %dma_start3A_26 = tpu.memref_slice %arg6[%dma_start3A_25] : memref<1024xf32, #tpu.memory_space<vmem>> -> memref<256xf32, #tpu.memory_space<vmem>>
    %dma_start3A_27 = tpu.memref_slice %arg4[%add3A_24] : memref<16384xf32, #tpu.memory_space<hbm>> -> memref<256xf32, #tpu.memory_space<hbm>>
    %dma_start3A_28 = tpu.memref_slice %arg4[%add3A_24] : memref<16384xf32, #tpu.memory_space<hbm>> -> memref<256xf32, #tpu.memory_space<hbm>>
    %dma_start3A_29 = arith.constant 768 : i32
    %dma_start3A_30 = tpu.memref_slice %arg6[%dma_start3A_29] : memref<1024xf32, #tpu.memory_space<vmem>> -> memref<256xf32, #tpu.memory_space<vmem>>
    tpu.enqueue_dma source(%dma_start3A_30 : memref<256xf32, #tpu.memory_space<vmem>>) target(%dma_start3A_28 : memref<256xf32, #tpu.memory_space<hbm>>) target_semaphore(%arg7 : memref<!tpu.dma_semaphore, #tpu.memory_space<semaphore_mem>>)
    %dma_wait3A_31 = arith.constant 0 : i32
    %dma_wait3A_32 = tpu.memref_slice %arg6[%dma_wait3A_31] : memref<1024xf32, #tpu.memory_space<vmem>> -> memref<768xf32, #tpu.memory_space<vmem>>
    %dma_wait3A_33 = tpu.memref_slice %arg4[%mul3A_0] : memref<16384xf32, #tpu.memory_space<hbm>> -> memref<768xf32, #tpu.memory_space<hbm>>
    %dma_wait3A_34 = tpu.memref_slice %arg4[%mul3A_0] : memref<16384xf32, #tpu.memory_space<hbm>> -> memref<768xf32, #tpu.memory_space<hbm>>
    %dma_wait3A_35 = arith.constant 0 : i32
    %dma_wait3A_36 = tpu.memref_slice %arg6[%dma_wait3A_35] : memref<1024xf32, #tpu.memory_space<vmem>> -> memref<768xf32, #tpu.memory_space<vmem>>
    tpu.wait_dma2 semaphore(%arg8 : memref<!tpu.dma_semaphore, #tpu.memory_space<semaphore_mem>>) src(%dma_wait3A_36 : memref<768xf32, #tpu.memory_space<vmem>>) dst(%dma_wait3A_34 : memref<768xf32, #tpu.memory_space<hbm>>)
    %dma_wait3A_37 = arith.constant 768 : i32
    %dma_wait3A_38 = tpu.memref_slice %arg6[%dma_wait3A_37] : memref<1024xf32, #tpu.memory_space<vmem>> -> memref<256xf32, #tpu.memory_space<vmem>>
    %dma_wait3A_39 = tpu.memref_slice %arg4[%add3A_24] : memref<16384xf32, #tpu.memory_space<hbm>> -> memref<256xf32, #tpu.memory_space<hbm>>
    %dma_wait3A_40 = tpu.memref_slice %arg4[%add3A_24] : memref<16384xf32, #tpu.memory_space<hbm>> -> memref<256xf32, #tpu.memory_space<hbm>>
    %dma_wait3A_41 = arith.constant 768 : i32
    %dma_wait3A_42 = tpu.memref_slice %arg6[%dma_wait3A_41] : memref<1024xf32, #tpu.memory_space<vmem>> -> memref<256xf32, #tpu.memory_space<vmem>>
    tpu.wait_dma2 semaphore(%arg7 : memref<!tpu.dma_semaphore, #tpu.memory_space<semaphore_mem>>) src(%dma_wait3A_42 : memref<256xf32, #tpu.memory_space<vmem>>) dst(%dma_wait3A_40 : memref<256xf32, #tpu.memory_space<hbm>>)
    return
  }
}

</mosaic_0001>

<sc_bundles>
// kernel: kernel.3.cloned.1.call-start
scs
__scs_entry_jumppad:
0x0: {  	(pc) =	sbr.rel $0x88, $3  }
0x1: {  	(tag) =	ssettag $0x0;
	lr =	simm.s32 $0x1  }
0x2: {  	[smem:$0x3F9F] =	sst lr;
	_ =	strace $0xD0000000  }
0x3: {  	_ = 	snop  }
0x4: {  	_ = 	snop  }
0x5: {  	_ = 	snop  }
0x6: {  	_ = 	snop  }
0x7: {  	_ = 	snop  }
__scs_overlays_trampoline_lowered:
0x8: {  	[smem:$0x3FAE] =	sst s0  }
0x9: {  	[smem:$0x3FAF] =	sst s1  }
0xa: {  	[smem:$0x3FB0] =	sst s2  }
0xb: {  	[smem:$0x3FB1] =	sst s3  }
0xc: {  	[smem:$0x3FB2] =	sst s4  }
0xd: {  	[smem:$0x3FB3] =	sst s5  }
0xe: {  	[smem:$0x3FB4] =	sst s6  }
0xf: {  	[smem:$0x3FB5] =	sst s7  }
0x10: {  	[smem:$0x3FB6] =	sst s8  }
0x11: {  	[smem:$0x3FB7] =	sst s9;
	s0 =	simm.s32 @!p0 $0x0  }
0x12: {  	s1 =	sld [smem:$0x3F9D];
	s0 =	simm.s32 @p0 $0x1  }
0x13: {  	[smem:$0x3FB8] =	sst s0;
	s0 =	simm.s32 @!p1 $0x0  }
0x14: {  	s2 =	sld [smem:$0x3F9C];
	s0 =	simm.s32 @p1 $0x1  }
0x15: {  	[smem:$0x3FB9] =	sst s0;
	s0 =	simm.s32 @!p2 $0x0  }
0x16: {  	s3 =	sld [smem:$0x3FDB];
	s0 =	simm.s32 @p2 $0x1  }
0x17: {  	s4 =	simm.s32 $0x1BF5;
	[smem:$0x3FBB] =	sst s0  }
0x18: {  	s0 =	sld [smem:$0x3F9E];
	_ =	swait.ge [sflag:s4], $0x0  }
0x19: {  	s7 =	sld [smem:$0x3F9F]  }
0x1a: {  	s8 =	sadd.s32 $0xFFFFE003, lr  }
0x1b: {  	s9 =	sadd.s32 $0xFFFFFEF7, lr;
	s5 =	simm.s32 $0xFFFFFFFF;
	p2 =	slt.u32 s8, $0xFFFFF086  }
0x1c: {  	p1 =	slt.u32 s9, $0xF7A;
	s5 =	simm.s32 @!p2 $0x0  }
0x1d: {  	s5 =	simm.s32 @p1 $0x1;
	p0 =	seq.s32 s7, s2  }
0x1e: {  	s7 =	smul.u32 @!p0 $0xF7A, s2;
	p2 =	seq.s32 @!p0 s5, $0x0  }
0x1f: {  	s9 =	smul.u32 $0xF7A, s1;
	s8 =	simm.s32 @!p0 $0x1BF5;
	p2 =	por !p2, p0  }
0x20: {  	[sflag:s8] =	ssyncset.s32 @!p0 $0xFFFFF086;
	s6 =	sadd.s32 @!p0 s3, s7;
	s7 =	simm.s32 @!p0 $0x108  }
0x21: {  	s3 =	sadd.s32 s3, s9;
	s6 =	sadd.s32 @!p0 $0x88, s6;
	s7 =	simm.s32 @p2 $0x1082  }
0x22: {  	[simem:s7], [sflag:s8] =	dma.local @!p0 [hbm:s6], $0xF7A  }
0x23: {  	s9 =	sor.u32 $0xD0000000, s2;
	s6 =	simm.s32 $0x108;
	_ =	swait.ge @!p0 [sflag:s8], $0x0  }
0x24: {  	s3 =	sadd.s32 $0x88, s3;
	s6 =	simm.s32 @!p1 $0x1082;
	[sflag:s4] =	ssyncset.s32 $0xFFFFF086  }
0x25: {  	[simem:s6], [sflag:s4] =	dma.local [hbm:s3], $0xF7A  }
0x26: {  	[smem:$0x3F9F] =	sst s1;
	(tag) =	ssettag s2;
	_ =	strace s9  }
0x27: {  	s1 =	sld [smem:$0x3FAF]  }
0x28: {  	s2 =	sld [smem:$0x3FB0]  }
0x29: {  	s4 =	sld [smem:$0x3FB2]  }
0x2a: {  	p0 =	seq.s32 s5, $0x0;
	s5 =	sld [smem:$0x3FB3]  }
0x2b: {  	s6 =	sld [smem:$0x3FB4]  }
0x2c: {  	s7 =	sld [smem:$0x3FB5]  }
0x2d: {  	s3 =	simm.s32 $0x108;
	s8 =	sld [smem:$0x3FB6]  }
0x2e: {  	s3 =	simm.s32 @!p0 $0x1082;
	s9 =	sld [smem:$0x3FB7]  }
0x2f: {  	lr =	sadd.s32 s0, s3;
	s0 =	sld [smem:$0x3FAE]  }
0x30: {  	s3 =	sld [smem:$0x3FB1]  }
0x31: {  	[smem:$0x3FBA] =	sst s10  }
0x32: {  	s10 =	sld [smem:$0x3FB8];
	_ =	sdelay $0x3  }
0x33: {  	p0 =	seq.s32 s10, $0x1;
	s10 =	sld [smem:$0x3FBA];
	_ =	sdelay $0x3  }
0x34: {  	[smem:$0x3FBA] =	sst s10  }
0x35: {  	s10 =	sld [smem:$0x3FB9];
	_ =	sdelay $0x3  }
0x36: {  	p1 =	seq.s32 s10, $0x1;
	s10 =	sld [smem:$0x3FBA];
	_ =	sdelay $0x3  }
0x37: {  	[smem:$0x3FBA] =	sst s10  }
0x38: {  	s10 =	sld [smem:$0x3FBB]  }
0x39: {  	_ = 	snop;
	(pc) =	sbr.ind lr, $3  }
0x3a: {  	_ = 	snop  }
0x3b: {  	_ = 	snop  }
0x3c: {  	p2 =	seq.s32 s10, $0x1;
	s10 =	sld [smem:$0x3FBA]  }
0x3d: {  	_ =	shalt  }
0x3e: {  	_ =	shalt  }
0x3f: {  	_ =	shalt  }
0x40: {  	_ =	shalt  }
0x41: {  	_ =	shalt  }
0x42: {  	_ =	shalt  }
0x43: {  	_ =	shalt  }
0x44: {  	_ =	shalt  }
0x45: {  	_ =	shalt  }
0x46: {  	_ =	shalt  }
0x47: {  	_ =	shalt  }
0x48: {  	_ =	shalt  }
0x49: {  	_ =	shalt  }
0x4a: {  	_ =	shalt  }
0x4b: {  	_ =	shalt  }
0x4c: {  	_ =	shalt  }
0x4d: {  	_ =	shalt  }
0x4e: {  	_ =	shalt  }
0x4f: {  	_ =	shalt  }
0x50: {  	_ =	shalt  }
0x51: {  	_ =	shalt  }
0x52: {  	_ =	shalt  }
0x53: {  	_ =	shalt  }
0x54: {  	_ =	shalt  }
0x55: {  	_ =	shalt  }
0x56: {  	_ =	shalt  }
0x57: {  	_ =	shalt  }
0x58: {  	_ =	shalt  }
0x59: {  	_ =	shalt  }
0x5a: {  	_ =	shalt  }
0x5b: {  	_ =	shalt  }
0x5c: {  	_ =	shalt  }
0x5d: {  	_ =	shalt  }
0x5e: {  	_ =	shalt  }
0x5f: {  	_ =	shalt  }
0x60: {  	_ =	shalt  }
0x61: {  	_ =	shalt  }
0x62: {  	_ =	shalt  }
0x63: {  	_ =	shalt  }
0x64: {  	_ =	shalt  }
0x65: {  	_ =	shalt  }
0x66: {  	_ =	shalt  }
0x67: {  	_ =	shalt  }
0x68: {  	_ =	shalt  }
0x69: {  	_ =	shalt  }
0x6a: {  	_ =	shalt  }
0x6b: {  	_ =	shalt  }
0x6c: {  	_ =	shalt  }
0x6d: {  	_ =	shalt  }
0x6e: {  	_ =	shalt  }
0x6f: {  	_ =	shalt  }
0x70: {  	_ =	shalt  }
0x71: {  	_ =	shalt  }
0x72: {  	_ =	shalt  }
0x73: {  	_ =	shalt  }
0x74: {  	_ =	shalt  }
0x75: {  	_ =	shalt  }
0x76: {  	_ =	shalt  }
0x77: {  	_ =	shalt  }
0x78: {  	_ =	shalt  }
0x79: {  	_ =	shalt  }
0x7a: {  	_ =	shalt  }
0x7b: {  	_ =	shalt  }
0x7c: {  	_ =	shalt  }
0x7d: {  	_ =	shalt  }
0x7e: {  	_ =	shalt  }
0x7f: {  	_ =	shalt  }
0x80: {  	_ =	shalt  }
0x81: {  	_ =	shalt  }
0x82: {  	_ =	shalt  }
0x83: {  	_ =	shalt  }
0x84: {  	_ =	shalt  }
0x85: {  	_ =	shalt  }
0x86: {  	_ =	shalt  }
0x87: {  	_ =	shalt  }
.Lfunc_end0:
.L_simem_size_0:
called_computation_lowered:
.L_overlay_start_0:
0x88: {  	s0 =	sld [smem:$0x3FD9]  }
0x89: {  	s1 =	sld [smem:$0x3FFE];
	_ =	sdelay $0x3  }
0x8a: {  	s0 =	sadd.s32 s1, s0  }
0x8b: {  	[smem:$0x3FC6] =	sst s0  }
0x8c: {  	_ = 	snop  }
0x8d: {  	s0 =	sld [smem:$0x3FC9]  }
0x8e: {  	s17 =	sld [smem:$0x3FC8]  }
0x8f: {  	s2 =	sld [smem:$0x3FD0];
	(tm) =	ssettm $0x1  }
0x90: {  	s3 =	sld [smem:$0x3FFB];
	_ =	sdelay $0x3  }
0x91: {  	_ =	strace s3  }
0x92: {  	s3 =	sld [smem:$0x3FFC];
	_ =	sdelay $0x3  }
0x93: {  	_ =	strace s3  }
0x94: {  	s3 =	sld [smem:$0x3FFD];
	_ =	sdelay $0x3  }
0x95: {  	_ =	strace s3  }
0x96: {  	_ =	strace $0x8FFFFFFF  }
0x97: {  	s18 =	sld [smem:$0x3FDB];
	_ =	sdelay $0x1  }
0x98: {  	s4 =	simm.s32 $_scs_section_size  }
0x99: {  	s5 =	simm.s32 $_size__tile_overlayer_lowered;
	s6 =	simm.s32 $_tile_overlayer_lowered  }
0x9a: {  	s21 =	simm.s32 $0x1BFF;
	s20 =	sshll.u32 s6, $0x1;
	s3 =	sadd.s32 s4, s18  }
0x9b: {  	s7 =	simm.s32 $0x0;
	s19 =	sshll.u32 s5, $0x1;
	s5 =	sadd.s32 s20, s3  }
0x9c: {  	[timem:s7], [sflag:s21] =	dma.local [hbm:s5], s19  }
0x9d: {  	_ =	swait.ge [sflag:s21], s19  }
0x9e: {  	s4 =	ssub.s32 $0x0, s19;
	[sflag:s21] =	ssyncset.done $0x0  }
0x9f: {  	[sflag:s21] =	ssyncadd.s32 s4;
	_ =	sdelay $0x1  }
0xa0: {  	s22 =	simm.s32 $0x1B8B  }
0xa1: {  	_ =	swait.ge [sflag:s22], $0x1  }
0xa2: {  	[sflag:s22] =	ssyncset.done $0x0  }
0xa3: {  	s23 =	simm.s32 $0x1B8E;
	[sflag:s22] =	ssyncadd.s32 $0xFFFFFFFF  }
0xa4: {  	s24 =	simm.s32 $execute0_lowered;
	[smem:$0x3FD2] =	sst s23  }
0xa5: {  	s4 =	sshll.u32 s24, $0x1;
	_ =	strace $0x80000046;
	[dreg:$0x1] =	wrdreg $0xFFFFFFFF  }
0xa6: {  	s25 =	simm.s32 $_size_execute0_lowered;
	s3 =	sadd.s32 s3, s4;
	[dreg:$0x0] =	wrdreg $0x0  }
0xa7: {  	s4 =	sshll.u32 s25, $0x1;
	[dreg:$0x2] =	wrdreg s3  }
0xa8: {  	[dreg:$0x3] =	wrdreg s4  }
0xa9: {  	[dreg:$0x4] =	wrdreg $0xC0  }
0xaa: {  	_ =	task [dreg:s7], $0x5FFFF  }
0xab: {  	[dreg:$0x1] =	wrdreg $0xFFFFFFFF  }
0xac: {  	[dreg:$0x0] =	wrdreg $0x60  }
0xad: {  	[dreg:$0x2] =	wrdreg s0  }
0xae: {  	[dreg:$0x3] =	wrdreg s17  }
0xaf: {  	[dreg:$0x4] =	wrdreg s2  }
0xb0: {  	[dreg:$0x5] =	wrdreg $0x9  }
0xb1: {  	_ =	task.clear_ibuf [dreg:s7], $0x6FFFF;
	_ =	strace $0x90000046  }
0xb2: {  	s26 =	simm.s32 $0x9;
	_ =	strace $0x80000048  }
0xb3: {  	_ =	swait.ge [sflag:s26], $0x1  }
0xb4: {  	[sflag:s26] =	ssyncadd.s32 $0xFFFFFFFF  }
0xb5: {  	_ =	strace $0x90000048  }
0xb6: {  	_ =	sfence  }
0xb7: {  	s28 =	sld [smem:$0x0];
	_ =	sdelay $0x1  }
0xb8: {  	s29 =	srdreg.scid  }
0xb9: {  	s30 =	sshll.u32 s29, $0xD;
	s31 =	sshrl.u32 s29, $0x2  }
0xba: {  	s1 =	sand.u32 $0x1, s29;
	s2 =	sand.u32 $0x4000, s30;
	s0 =	sadd.s32 s31, s28  }
0xbb: {  	s1 =	sor.u32 s2, s1;
	s0 =	sshll.u32 s0, $0x11  }
0xbc: {  	s0 =	sor.u32 s0, s1  }
0xbd: {  	s0 =	sadd.s32 $0x8F2B, s0  }
0xbe: {  	[sflag:s0] =	ssyncadd.remote.s32 $0x1  }
0xbf: {  	_ =	sfence.sel $0xFFFF  }
0xc0: {  	[dreg:$0x0] =	wrdreg $0xFFFFFFFF;
	(pc) =	sbr.abs _section_cstart, $3  }
0xc1: {  	[dreg:$0x1] =	wrdreg $0xFFFFFFFF  }
0xc2: {  	_ =	task.clear_ibuf [dreg:s7], $0x2FFFF;
	_ =	strace $0x9FFFFFFF  }
0xc3: {  	(tm) =	ssettm $0x7FFFFFFF  }
tec
execute0_lowered:
.L_overlay_start_1:
0x0: {  	(tag) =	ssettag $0x1  }
0x1: {  	s5 =	rddreg [dreg:$0x0]  }
0x2: {  	s6 =	rddreg [dreg:$0x1]  }
0x3: {  	s2 =	rddreg [dreg:$0x2];
	s4 =	simm.s32 $0x0  }
0x4: {  	s1 =	stileid.u32;
	[smem:$0x7FF] =	sst s4  }
0x5: {  	s0 =	rddreg [dreg:$0x3];
	s3 =	sshll.u32 s1, $0x7;
	_ =	strace $0x80000047  }
0x6: {  	[tilespmem:s4], [sflag:$0x1] =	stream.linear.gather [hbm4b:s6+s4], $0x3E9, $0x38;
	[tilespmem:$0x800] =	vst v63  }
0x7: {  	s29 =	simm.s32 $0x400;
	s30 =	simm.s32 $0x2;
	s5 =	sadd.s32 s5, s3  }
0x8: {  	[tilespmem:s29], [sflag:$0x2] =	stream.linear.gather [hbm4b:s5+s4], $0x400, $0x38;
	[tilespmem:$0x800] =	vst v63  }
0x9: {  	_ =	swait.ge [sflag:s30], $0x400  }
0xa: {  	[sflag:s30] =	ssyncset.done $0x0  }
0xb: {  	s31 =	simm.s32 $0x1;
	[sflag:s30] =	ssyncadd.s32 $0xFFFFFC00  }
0xc: {  	_ =	swait.ge [sflag:s31], $0x3E9  }
0xd: {  	[sflag:s31] =	ssyncset.done $0x0  }
0xe: {  	s5 =	simm.s32 $0x480;
	[sflag:s31] =	ssyncadd.s32 $0xFFFFFC17  }
0xf: {  	v0 =	vld [tilespmem:s5+$0x70]  }
0x10: {  	v1 =	vld [tilespmem:s5+$0xFFFFFF90]  }
0x11: {  	v2 =	vld [tilespmem:s5+$0xFFFFFFA0]  }
0x12: {  	v3 =	vld [tilespmem:s5+$0xFFFFFFB0]  }
0x13: {  	v4 =	vld [tilespmem:s5+$0xFFFFFFC0]  }
0x14: {  	v5 =	vld [tilespmem:s5+$0xFFFFFFD0]  }
0x15: {  	v6 =	vld [tilespmem:s5+$0xFFFFFF80]  }
0x16: {  	v7 =	vld [tilespmem:s5+$0xFFFFFFE0]  }
0x17: {  	v8 =	vld [tilespmem:s5+$0xFFFFFFF0]  }
0x18: {  	v9 =	vld [tilespmem:s5+$0x0]  }
0x19: {  	v10 =	vld [tilespmem:s5+$0x10]  }
0x1a: {  	v11 =	vld [tilespmem:s5+$0x20]  }
0x1b: {  	v12 =	vld [tilespmem:s5+$0x30]  }
0x1c: {  	v13 =	vld [tilespmem:s5+$0x40]  }
0x1d: {  	v14 =	vld [tilespmem:s5+$0x50]  }
0x1e: {  	s6 =	simm.s32 $0x580;
	v15 =	vld [tilespmem:s5+$0x60]  }
0x1f: {  	v16 =	vld [tilespmem:s6+$0x70]  }
0x20: {  	v17 =	vld [tilespmem:s6+$0xFFFFFF90]  }
0x21: {  	v18 =	vld [tilespmem:s6+$0xFFFFFFA0]  }
0x22: {  	v19 =	vld [tilespmem:s6+$0xFFFFFFB0];
	v0 =	vmul.f32 $1.000000000e+03, v0;
	v1 =	vmul.f32 $1.000000000e+03, v1  }
0x23: {  	v20 =	vld [tilespmem:s6+$0xFFFFFFC0];
	v2 =	vmul.f32 $1.000000000e+03, v2;
	v3 =	vmul.f32 $1.000000000e+03, v3  }
0x24: {  	v21 =	vld [tilespmem:s6+$0xFFFFFFD0];
	v4 =	vmul.f32 $1.000000000e+03, v4;
	v5 =	vmul.f32 $1.000000000e+03, v5  }
0x25: {  	v22 =	vld [tilespmem:s6+$0xFFFFFFE0];
	v6 =	vmul.f32 $1.000000000e+03, v6;
	v7 =	vmul.f32 $1.000000000e+03, v7  }
0x26: {  	v23 =	vld [tilespmem:s6+$0xFFFFFFF0];
	v8 =	vmul.f32 $1.000000000e+03, v8;
	v9 =	vmul.f32 $1.000000000e+03, v9  }
0x27: {  	v24 =	vld [tilespmem:s6+$0x0];
	v10 =	vmul.f32 $1.000000000e+03, v10;
	v11 =	vmul.f32 $1.000000000e+03, v11  }
0x28: {  	v25 =	vld [tilespmem:s6+$0x10];
	v12 =	vmul.f32 $1.000000000e+03, v12;
	v13 =	vmul.f32 $1.000000000e+03, v13  }
0x29: {  	v26 =	vld [tilespmem:s6+$0x20];
	v14 =	vmul.f32 $1.000000000e+03, v14;
	v15 =	vmul.f32 $1.000000000e+03, v15  }
0x2a: {  	v27 =	vld [tilespmem:s6+$0x30];
	v16 =	vmul.f32 $1.000000000e+03, v16;
	v17 =	vmul.f32 $1.000000000e+03, v17  }
0x2b: {  	v28 =	vld [tilespmem:s6+$0x40];
	v18 =	vmul.f32 $1.000000000e+03, v18;
	v19 =	vmul.f32 $1.000000000e+03, v19  }
0x2c: {  	v20 =	vmul.f32 $1.000000000e+03, v20;
	v21 =	vmul.f32 $1.000000000e+03, v21  }
0x2d: {  	v22 =	vmul.f32 $1.000000000e+03, v22;
	v23 =	vmul.f32 $1.000000000e+03, v23  }
0x2e: {  	v24 =	vmul.f32 $1.000000000e+03, v24;
	v52 =	vmul.f32 $1.000000000e+03, v25  }
0x2f: {  	v54 =	vmul.f32 $1.000000000e+03, v26;
	v55 =	vmul.f32 $1.000000000e+03, v27  }
0x30: {  	v56 =	vmul.f32 $1.000000000e+03, v28;
	v0 =	vtrunc.f32 v0  }
0x31: {  	v1 =	vtrunc.f32 v1;
	v2 =	vtrunc.f32 v2  }
0x32: {  	v3 =	vtrunc.f32 v3;
	v6 =	vtrunc.f32 v6  }
0x33: {  	v4 =	vtrunc.f32 v4;
	v5 =	vtrunc.f32 v5  }
0x34: {  	v7 =	vtrunc.f32 v7;
	v8 =	vtrunc.f32 v8  }
0x35: {  	v9 =	vtrunc.f32 v9;
	v10 =	vtrunc.f32 v10  }
0x36: {  	v11 =	vtrunc.f32 v11;
	v0 =	vcvt.f32.s32 v0  }
0x37: {  	v12 =	vtrunc.f32 v12;
	v1 =	vcvt.f32.s32 v1  }
0x38: {  	v13 =	vtrunc.f32 v13;
	v2 =	vcvt.f32.s32 v2  }
0x39: {  	v29 =	vld [tilespmem:s6+$0x50];
	v14 =	vtrunc.f32 v14;
	v3 =	vcvt.f32.s32 v3  }
0x3a: {  	v30 =	vld [tilespmem:s6+$0x60];
	v15 =	vtrunc.f32 v15;
	v6 =	vcvt.f32.s32 v6  }
0x3b: {  	v53 =	vld [tilespmem:s6+$0xFFFFFF80];
	v16 =	vtrunc.f32 v16;
	v4 =	vcvt.f32.s32 v4  }
0x3c: {  	v17 =	vtrunc.f32 v17;
	v16 =	vcvt.f32.s32 v16;
	v0 =	vld.idx.msk [tilespmem:v0+s4+$0x0], $0xffff  }
0x3d: {  	v18 =	vtrunc.f32 v18;
	v5 =	vcvt.f32.s32 v5;
	v1 =	vld.idx.msk [tilespmem:v1+s4+$0x0], $0xffff  }
0x3e: {  	v19 =	vtrunc.f32 v19;
	v7 =	vcvt.f32.s32 v7;
	v2 =	vld.idx.msk [tilespmem:v2+s4+$0x0], $0xffff  }
0x3f: {  	v20 =	vtrunc.f32 v20;
	v8 =	vcvt.f32.s32 v8;
	v3 =	vld.idx.msk [tilespmem:v3+s4+$0x0], $0xffff  }
0x40: {  	v21 =	vtrunc.f32 v21;
	v9 =	vcvt.f32.s32 v9;
	v6 =	vld.idx.msk [tilespmem:v6+s4+$0x0], $0xffff  }
0x41: {  	v10 =	vcvt.f32.s32 v10;
	v11 =	vcvt.f32.s32 v11;
	v4 =	vld.idx.msk [tilespmem:v4+s4+$0x0], $0xffff  }
0x42: {  	v12 =	vcvt.f32.s32 v12;
	v13 =	vcvt.f32.s32 v13;
	v16 =	vld.idx.msk [tilespmem:v16+s4+$0x0], $0xffff;
	[tilespmem:s5+$0x70] =	vst v0  }
0x43: {  	v14 =	vcvt.f32.s32 v14;
	v15 =	vcvt.f32.s32 v15;
	v5 =	vld.idx.msk [tilespmem:v5+s4+$0x0], $0xffff;
	[tilespmem:s5+$0xFFFFFF90] =	vst v1  }
0x44: {  	v17 =	vcvt.f32.s32 v17;
	v19 =	vcvt.f32.s32 v19;
	v7 =	vld.idx.msk [tilespmem:v7+s4+$0x0], $0xffff;
	[tilespmem:s5+$0xFFFFFFA0] =	vst v2  }
0x45: {  	v20 =	vcvt.f32.s32 v20;
	v8 =	vld.idx.msk [tilespmem:v8+s4+$0x0], $0xffff;
	v0 =	vtrunc.f32 v22;
	[tilespmem:s5+$0xFFFFFFB0] =	vst v3  }
0x46: {  	v9 =	vld.idx.msk [tilespmem:v9+s4+$0x0], $0xffff;
	v1 =	vtrunc.f32 v23;
	v2 =	vtrunc.f32 v24;
	[tilespmem:s5+$0xFFFFFF80] =	vst v6  }
0x47: {  	v57 =	vld.idx.msk [tilespmem:v10+s4+$0x0], $0xffff;
	v3 =	vtrunc.f32 v52;
	v23 =	vtrunc.f32 v54;
	[tilespmem:s5+$0xFFFFFFC0] =	vst v4  }
0x48: {  	v58 =	vld.idx.msk [tilespmem:v11+s4+$0x0], $0xffff;
	v6 =	vmul.f32 $1.000000000e+03, v29;
	v4 =	vmul.f32 $1.000000000e+03, v53;
	[tilespmem:s6+$0x70] =	vst v16  }
0x49: {  	v59 =	vld.idx.msk [tilespmem:v12+s4+$0x0], $0xffff;
	v24 =	vtrunc.f32 v55;
	v16 =	vcvt.f32.s32 v18;
	[tilespmem:s5+$0xFFFFFFD0] =	vst v5  }
0x4a: {  	v61 =	vld.idx.msk [tilespmem:v13+s4+$0x0], $0xffff;
	v5 =	vmul.f32 $1.000000000e+03, v30;
	[tilespmem:s5+$0xFFFFFFE0] =	vst v7;
	v4 =	vtrunc.f32 v4  }
0x4b: {  	v62 =	vld.idx.msk [tilespmem:v14+s4+$0x0], $0xffff;
	v22 =	vtrunc.f32 v56;
	[tilespmem:s5+$0xFFFFFFF0] =	vst v8;
	v60 =	vcvt.f32.s32 v4  }
0x4c: {  	v11 =	vld.idx.msk [tilespmem:v15+s4+$0x0], $0xffff;
	[tilespmem:s5+$0x0] =	vst v9;
	v9 =	vcvt.f32.s32 v21;
	v7 =	vcvt.f32.s32 v0  }
0x4d: {  	v10 =	vld.idx.msk [tilespmem:v17+s4+$0x0], $0xffff;
	[tilespmem:s5+$0x10] =	vst v57;
	v8 =	vcvt.f32.s32 v1;
	v1 =	vcvt.f32.s32 v22  }
0x4e: {  	v13 =	vld.idx.msk [tilespmem:v19+s4+$0x0], $0xffff;
	[tilespmem:s5+$0x20] =	vst v58;
	v63 =	vtrunc.f32 v6;
	v31 =	vtrunc.f32 v5  }
0x4f: {  	[tilespmem:s5+$0x30] =	vst v59;
	v5 =	vcvt.f32.s32 v2;
	v6 =	vcvt.f32.s32 v3;
	v12 =	vld.idx.msk [tilespmem:v16+s4+$0x0], $0xffff  }
0x50: {  	v15 =	vld.idx.msk [tilespmem:v20+s4+$0x0], $0xffff;
	[tilespmem:s5+$0x40] =	vst v61;
	v3 =	vcvt.f32.s32 v23;
	v4 =	vcvt.f32.s32 v24  }
0x51: {  	s7 =	simm.s32 $0x10;
	s8 =	simm.s32 $0x680;
	[tilespmem:s5+$0x50] =	vst v62;
	v2 =	vcvt.f32.s32 v63;
	v0 =	vcvt.f32.s32 v31;
	v14 =	vld.idx.msk [tilespmem:v60+s4+$0x0], $0xffff  }
.LBB2_1:
0x52: {  	v16 =	vld [tilespmem:s8+$0x70];
	s7 =	sadd.s32 $0x10, s7;
	[tilespmem:s5+$0x60] =	vst v11;
	s5 =	smov.u32 s6;
	s6 =	smov.u32 s8  }
0x53: {  	v11 =	vld [tilespmem:s8+$0xFFFFFF90];
	p0 =	slt.u32 s7, $0x20;
	[tilespmem:s5+$0xFFFFFF90] =	vst v10  }
0x54: {  	v10 =	vld [tilespmem:s8+$0xFFFFFFA0];
	[tilespmem:s5+$0xFFFFFFA0] =	vst v12  }
0x55: {  	v12 =	vld [tilespmem:s8+$0xFFFFFFB0];
	[tilespmem:s5+$0xFFFFFFB0] =	vst v13  }
0x56: {  	v13 =	vld [tilespmem:s8+$0xFFFFFFC0];
	[tilespmem:s5+$0xFFFFFF80] =	vst v14  }
0x57: {  	v14 =	vld [tilespmem:s8+$0xFFFFFFD0];
	v16 =	vmul.f32 $1.000000000e+03, v16;
	[tilespmem:s5+$0xFFFFFFC0] =	vst v15  }
0x58: {  	v11 =	vmul.f32 $1.000000000e+03, v11;
	v15 =	vld [tilespmem:s8+$0xFFFFFFE0]  }
0x59: {  	v10 =	vmul.f32 $1.000000000e+03, v10;
	v17 =	vld [tilespmem:s8+$0xFFFFFFF0];
	v16 =	vtrunc.f32 v16  }
0x5a: {  	v12 =	vmul.f32 $1.000000000e+03, v12;
	v18 =	vld [tilespmem:s8+$0x0];
	v16 =	vcvt.f32.s32 v16  }
0x5b: {  	v11 =	vtrunc.f32 v11;
	v13 =	vmul.f32 $1.000000000e+03, v13;
	v19 =	vld [tilespmem:s8+$0x10]  }
0x5c: {  	v10 =	vtrunc.f32 v10;
	v14 =	vmul.f32 $1.000000000e+03, v14;
	v20 =	vld [tilespmem:s8+$0x20]  }
0x5d: {  	v12 =	vtrunc.f32 v12;
	v15 =	vmul.f32 $1.000000000e+03, v15;
	v21 =	vld [tilespmem:s8+$0x30]  }
0x5e: {  	v13 =	vtrunc.f32 v13;
	v17 =	vmul.f32 $1.000000000e+03, v17;
	v22 =	vld [tilespmem:s8+$0x40]  }
0x5f: {  	v14 =	vtrunc.f32 v14;
	v18 =	vmul.f32 $1.000000000e+03, v18;
	v23 =	vld [tilespmem:s8+$0x50]  }
0x60: {  	v15 =	vtrunc.f32 v15;
	v19 =	vmul.f32 $1.000000000e+03, v19;
	v16 =	vld.idx.msk [tilespmem:v16+s4+$0x0], $0xffff  }
0x61: {  	v17 =	vtrunc.f32 v17;
	v20 =	vmul.f32 $1.000000000e+03, v20;
	v24 =	vld [tilespmem:s8+$0x60]  }
0x62: {  	v18 =	vtrunc.f32 v18;
	v25 =	vld [tilespmem:s8+$0xFFFFFF80];
	v21 =	vmul.f32 $1.000000000e+03, v21  }
0x63: {  	v19 =	vtrunc.f32 v19;
	v22 =	vmul.f32 $1.000000000e+03, v22;
	v9 =	vld.idx.msk [tilespmem:v9+s4+$0x0], $0xffff  }
0x64: {  	v20 =	vtrunc.f32 v20;
	v23 =	vmul.f32 $1.000000000e+03, v23;
	v7 =	vld.idx.msk [tilespmem:v7+s4+$0x0], $0xffff  }
0x65: {  	v21 =	vtrunc.f32 v21;
	v22 =	vtrunc.f32 v22;
	v8 =	vld.idx.msk [tilespmem:v8+s4+$0x0], $0xffff  }
0x66: {  	v23 =	vtrunc.f32 v23;
	v24 =	vmul.f32 $1.000000000e+03, v24;
	[tilespmem:s8+$0x70] =	vst v16;
	v16 =	vld.idx.msk [tilespmem:v5+s4+$0x0], $0xffff  }
0x67: {  	v5 =	vmul.f32 $1.000000000e+03, v25;
	v25 =	vcvt.f32.s32 v11;
	v26 =	vld.idx.msk [tilespmem:v6+s4+$0x0], $0xffff  }
0x68: {  	v27 =	vcvt.f32.s32 v10;
	v24 =	vtrunc.f32 v24;
	v28 =	vld.idx.msk [tilespmem:v3+s4+$0x0], $0xffff  }
0x69: {  	v29 =	vcvt.f32.s32 v12;
	v3 =	vtrunc.f32 v5;
	[tilespmem:s5+$0xFFFFFFD0] =	vst v9;
	v30 =	vld.idx.msk [tilespmem:v4+s4+$0x0], $0xffff  }
0x6a: {  	v32 =	vcvt.f32.s32 v13;
	v31 =	vcvt.f32.s32 v3;
	[tilespmem:s5+$0xFFFFFFE0] =	vst v7;
	v33 =	vld.idx.msk [tilespmem:v1+s4+$0x0], $0xffff  }
0x6b: {  	v9 =	vcvt.f32.s32 v14;
	v7 =	vcvt.f32.s32 v15;
	[tilespmem:s5+$0xFFFFFFF0] =	vst v8;
	v34 =	vld.idx.msk [tilespmem:v2+s4+$0x0], $0xffff  }
0x6c: {  	v5 =	vcvt.f32.s32 v18;
	v8 =	vcvt.f32.s32 v17;
	[tilespmem:s5+$0x0] =	vst v16;
	v11 =	vld.idx.msk [tilespmem:v0+s4+$0x0], $0xffff  }
.Ltmp0:
0x6d: {  	v6 =	vcvt.f32.s32 v19;
	v3 =	vcvt.f32.s32 v20;
	v10 =	vld.idx.msk [tilespmem:v25+s4+$0x0], $0xffff;
	[tilespmem:s5+$0x10] =	vst v26;
	(pc) =	sbr.rel @p0 .LBB2_1-.Ltmp0, $4  }
0x6e: {  	v4 =	vcvt.f32.s32 v21;
	v1 =	vcvt.f32.s32 v22;
	v12 =	vld.idx.msk [tilespmem:v27+s4+$0x0], $0xffff;
	[tilespmem:s5+$0x20] =	vst v28  }
0x6f: {  	v2 =	vcvt.f32.s32 v23;
	v0 =	vcvt.f32.s32 v24;
	v13 =	vld.idx.msk [tilespmem:v29+s4+$0x0], $0xffff;
	[tilespmem:s5+$0x30] =	vst v30  }
0x70: {  	v14 =	vld.idx.msk [tilespmem:v31+s4+$0x0], $0xffff;
	[tilespmem:s5+$0x40] =	vst v33  }
0x71: {  	s8 =	sadd.s32 $0x100, s8;
	v15 =	vld.idx.msk [tilespmem:v32+s4+$0x0], $0xffff;
	[tilespmem:s5+$0x50] =	vst v34  }
0x72: {  	_ =	sdelay $0x2  }
0x73: {  	[tilespmem:s5+$0x60] =	vst v11  }
0x74: {  	[tilespmem:s6+$0xFFFFFF90] =	vst v10;
	v9 =	vld.idx.msk [tilespmem:v9+s4+$0x0], $0xffff  }
0x75: {  	v7 =	vld.idx.msk [tilespmem:v7+s4+$0x0], $0xffff;
	[tilespmem:s6+$0xFFFFFFA0] =	vst v12  }
0x76: {  	v8 =	vld.idx.msk [tilespmem:v8+s4+$0x0], $0xffff;
	[tilespmem:s6+$0xFFFFFFB0] =	vst v13  }
0x77: {  	v5 =	vld.idx.msk [tilespmem:v5+s4+$0x0], $0xffff;
	[tilespmem:s6+$0xFFFFFF80] =	vst v14  }
0x78: {  	v6 =	vld.idx.msk [tilespmem:v6+s4+$0x0], $0xffff;
	[tilespmem:s6+$0xFFFFFFC0] =	vst v15  }
0x79: {  	v3 =	vld.idx.msk [tilespmem:v3+s4+$0x0], $0xffff;
	[tilespmem:s6+$0xFFFFFFD0] =	vst v9  }
0x7a: {  	v4 =	vld.idx.msk [tilespmem:v4+s4+$0x0], $0xffff;
	[tilespmem:s6+$0xFFFFFFE0] =	vst v7  }
0x7b: {  	v1 =	vld.idx.msk [tilespmem:v1+s4+$0x0], $0xffff;
	[tilespmem:s6+$0xFFFFFFF0] =	vst v8  }
0x7c: {  	v2 =	vld.idx.msk [tilespmem:v2+s4+$0x0], $0xffff;
	[tilespmem:s6+$0x0] =	vst v5  }
0x7d: {  	v0 =	vld.idx.msk [tilespmem:v0+s4+$0x0], $0xffff;
	[tilespmem:s6+$0x10] =	vst v6  }
0x7e: {  	[tilespmem:s6+$0x20] =	vst v3  }
0x7f: {  	[tilespmem:s6+$0x30] =	vst v4  }
0x80: {  	[tilespmem:s6+$0x40] =	vst v1  }
0x81: {  	[tilespmem:s6+$0x50] =	vst v2  }
0x82: {  	s3 =	sadd.s32 s2, s3;
	s26 =	simm.s32 $0x0;
	s28 =	simm.s32 $0x400;
	[tilespmem:s6+$0x60] =	vst v0  }
0x83: {  	[hbm4b:s3+s26] =	stream.linear.scatter [tilespmem:s28], [sflag:$0x2], $0x300, $0x38;
	[tilespmem:$0x800] =	vst v63  }
0x84: {  	v0 =	vld [tilespmem:$0x700]  }
0x85: {  	v1 =	vld [tilespmem:$0x710]  }
0x86: {  	v2 =	vld [tilespmem:$0x720]  }
0x87: {  	v3 =	vld [tilespmem:$0x730]  }
0x88: {  	v4 =	vld [tilespmem:$0x740]  }
0x89: {  	v5 =	vld [tilespmem:$0x750]  }
0x8a: {  	v6 =	vld [tilespmem:$0x760]  }
0x8b: {  	v7 =	vld [tilespmem:$0x770]  }
0x8c: {  	v8 =	vld [tilespmem:$0x780]  }
0x8d: {  	v9 =	vld [tilespmem:$0x790]  }
0x8e: {  	v10 =	vld [tilespmem:$0x7A0]  }
0x8f: {  	v11 =	vld [tilespmem:$0x7B0]  }
0x90: {  	v12 =	vld [tilespmem:$0x7C0];
	v0 =	vmul.f32 $1.000000000e+03, v0  }
0x91: {  	v13 =	vld [tilespmem:$0x7D0];
	v1 =	vmul.f32 $1.000000000e+03, v1;
	v2 =	vmul.f32 $1.000000000e+03, v2  }
0x92: {  	v14 =	vld [tilespmem:$0x7E0];
	v3 =	vmul.f32 $1.000000000e+03, v3;
	v4 =	vmul.f32 $1.000000000e+03, v4  }
0x93: {  	v15 =	vld [tilespmem:$0x7F0];
	v5 =	vmul.f32 $1.000000000e+03, v5;
	v6 =	vmul.f32 $1.000000000e+03, v6  }
0x94: {  	v7 =	vmul.f32 $1.000000000e+03, v7;
	v8 =	vmul.f32 $1.000000000e+03, v8  }
0x95: {  	v9 =	vmul.f32 $1.000000000e+03, v9;
	v10 =	vmul.f32 $1.000000000e+03, v10  }
0x96: {  	v11 =	vmul.f32 $1.000000000e+03, v11;
	v12 =	vmul.f32 $1.000000000e+03, v12  }
0x97: {  	v13 =	vmul.f32 $1.000000000e+03, v13;
	v49 =	vmul.f32 $1.000000000e+03, v14  }
0x98: {  	v52 =	vmul.f32 $1.000000000e+03, v15;
	v0 =	vtrunc.f32 v0  }
0x99: {  	v1 =	vtrunc.f32 v1;
	v0 =	vcvt.f32.s32 v0  }
0x9a: {  	v2 =	vtrunc.f32 v2;
	v1 =	vcvt.f32.s32 v1  }
0x9b: {  	v3 =	vtrunc.f32 v3;
	v2 =	vcvt.f32.s32 v2  }
0x9c: {  	v4 =	vtrunc.f32 v4;
	v3 =	vcvt.f32.s32 v3  }
0x9d: {  	v5 =	vtrunc.f32 v5;
	v4 =	vcvt.f32.s32 v4  }
0x9e: {  	v6 =	vtrunc.f32 v6;
	v5 =	vcvt.f32.s32 v5  }
0x9f: {  	v7 =	vtrunc.f32 v7;
	v6 =	vcvt.f32.s32 v6;
	v0 =	vld.idx.msk [tilespmem:v0+s26+$0x0], $0xffff  }
0xa0: {  	v8 =	vtrunc.f32 v8;
	v7 =	vcvt.f32.s32 v7;
	v1 =	vld.idx.msk [tilespmem:v1+s26+$0x0], $0xffff  }
0xa1: {  	v9 =	vtrunc.f32 v9;
	v8 =	vcvt.f32.s32 v8;
	v2 =	vld.idx.msk [tilespmem:v2+s26+$0x0], $0xffff  }
0xa2: {  	v10 =	vtrunc.f32 v10;
	v9 =	vcvt.f32.s32 v9;
	v3 =	vld.idx.msk [tilespmem:v3+s26+$0x0], $0xffff  }
0xa3: {  	v11 =	vtrunc.f32 v11;
	v10 =	vcvt.f32.s32 v10;
	v4 =	vld.idx.msk [tilespmem:v4+s26+$0x0], $0xffff  }
0xa4: {  	v12 =	vtrunc.f32 v12;
	v11 =	vcvt.f32.s32 v11;
	v47 =	vld.idx.msk [tilespmem:v5+s26+$0x0], $0xffff;
	[tilespmem:$0x700] =	vst v0  }
0xa5: {  	v51 =	vtrunc.f32 v13;
	v48 =	vcvt.f32.s32 v12;
	v50 =	vld.idx.msk [tilespmem:v6+s26+$0x0], $0xffff;
	[tilespmem:$0x710] =	vst v1  }
0xa6: {  	v54 =	vtrunc.f32 v49;
	v53 =	vld.idx.msk [tilespmem:v7+s26+$0x0], $0xffff;
	v6 =	vcvt.f32.s32 v51;
	[tilespmem:$0x720] =	vst v2  }
0xa7: {  	v56 =	vtrunc.f32 v52;
	v55 =	vld.idx.msk [tilespmem:v8+s26+$0x0], $0xffff;
	v7 =	vcvt.f32.s32 v54;
	[tilespmem:$0x730] =	vst v3  }
0xa8: {  	v57 =	vld.idx.msk [tilespmem:v9+s26+$0x0], $0xffff;
	v8 =	vcvt.f32.s32 v56;
	[tilespmem:$0x740] =	vst v4  }
0xa9: {  	v58 =	vld.idx.msk [tilespmem:v10+s26+$0x0], $0xffff;
	[tilespmem:$0x750] =	vst v47  }
0xaa: {  	v59 =	vld.idx.msk [tilespmem:v11+s26+$0x0], $0xffff;
	[tilespmem:$0x760] =	vst v50  }
0xab: {  	v60 =	vld.idx.msk [tilespmem:v48+s26+$0x0], $0xffff;
	[tilespmem:$0x770] =	vst v53  }
0xac: {  	[tilespmem:$0x780] =	vst v55;
	v61 =	vld.idx.msk [tilespmem:v6+s26+$0x0], $0xffff  }
0xad: {  	[tilespmem:$0x790] =	vst v57;
	v62 =	vld.idx.msk [tilespmem:v7+s26+$0x0], $0xffff  }
0xae: {  	[tilespmem:$0x7A0] =	vst v58;
	v63 =	vld.idx.msk [tilespmem:v8+s26+$0x0], $0xffff  }
0xaf: {  	[tilespmem:$0x7B0] =	vst v59  }
0xb0: {  	[tilespmem:$0x7C0] =	vst v60  }
0xb1: {  	[tilespmem:$0x7D0] =	vst v61  }
0xb2: {  	[tilespmem:$0x7E0] =	vst v62  }
0xb3: {  	s29 =	simm.s32 $0x700;
	s30 =	simm.s32 $0x2;
	s3 =	sadd.s32 $0x60, s3;
	[tilespmem:$0x7F0] =	vst v63  }
0xb4: {  	[hbm4b:s3+s26] =	stream.linear.scatter [tilespmem:s29], [sflag:$0x1], $0x100, $0x38;
	[tilespmem:$0x800] =	vst v63  }
0xb5: {  	_ =	swait.ge [sflag:s30], $0x300  }
0xb6: {  	[sflag:s30] =	ssyncset.done $0x0  }
0xb7: {  	s31 =	simm.s32 $0x1;
	[sflag:s30] =	ssyncadd.s32 $0xFFFFFD00  }
0xb8: {  	_ =	swait.ge [sflag:s31], $0x100  }
0xb9: {  	[sflag:s31] =	ssyncset.done $0x0  }
0xba: {  	[sflag:s31] =	ssyncadd.s32 $0xFFFFFF00  }
0xbb: {  	_ =	sfence.sel $0x180000  }
0xbc: {  	[bflag:$0x0] =	sbarrier.arrive $0xFFFF  }
0xbd: {  	p0 =	sne.s32 s1, $0x0;
	_ =	strace $0x90000047  }
0xbe: {  	s0 =	sadd.s32 @!p0 $0x100000, s0;
	[bflag:$0x2] =	sbarrier.arrive $0xFFFF  }
0xbf: {  	[sflag:s0] =	ssyncadd.tile.s32 @!p0 $0x1;
	_ =	shalt  }
.Lfunc_end2:
_tile_overlayer_lowered:
.L_overlay_start_2:
0xc0: {  	(tag) =	ssettag $0x2  }
0xc1: {  	s0 =	rddreg [dreg:$0x0];
	s2 =	stileid.u32  }
0xc2: {  	s1 =	rddreg [dreg:$0x1];
	p0 =	sne.s32 s2, $0x0  }
0xc3: {  	s3 =	rddreg [dreg:$0x2];
	[bflag:$0x3] =	sbarrier.arrive $0xFFFF;
	s2 =	simm.s32 @!p0 $0x1C03  }
0xc4: {  	[timem:s3], [sflag:s2] =	dma.local @!p0 [hbm:s0], s1  }
0xc5: {  	s0 =	simm.s32 @!p0 $0x3  }
0xc6: {  	_ =	swait.ge @!p0 [sflag:s0], s1  }
0xc7: {  	s1 =	ssub.s32 @!p0 $0x0, s1;
	[sflag:s0] =	ssyncset.done @!p0 $0x0  }
0xc8: {  	[sflag:s0] =	ssyncadd.s32 @!p0 s1  }
0xc9: {  	[bflag:$0x3] =	sbarrier.arrive $0xFFFF  }
0xca: {  	_ =	shalt  }

</sc_bundles>
